<compile_context>
chip_gen: v7x
topology: tpu7x:2x2x1
jax: 0.10.2.dev20260603
libtpu: 0.0.44.dev20260713+nightly
codegen_flags: <defaults>
</compile_context>

<pallas_src>
import functools

import jax
import jax.numpy as jnp
from jax import lax
from jax.experimental import pallas as pl
from jax.experimental.pallas import tpu as pltpu
from jax.experimental.pallas import tpu_sc as plsc

_N = 16 * 4096
_NC = 2
_NS = 16
_NW = _NC * _NS
_CHUNK = _N // _NW
_VPW = _CHUNK // 16
_LN2 = 0.6931471805599453


def _ln_vec(x):
    bits = lax.bitcast_convert_type(x, jnp.int32)
    e = ((bits >> 23) - 127).astype(jnp.float32)
    m = lax.bitcast_convert_type((bits & 0x007FFFFF) | 0x3F800000, jnp.float32)
    s = (m - 1.0) / (m + 1.0)
    s2 = s * s
    p = jnp.float32(2.0 / 7.0)
    p = p * s2 + jnp.float32(2.0 / 5.0)
    p = p * s2 + jnp.float32(2.0 / 3.0)
    p = p * s2 + jnp.float32(2.0)
    ln = e * jnp.float32(_LN2) + p * s
    return jnp.where(x > 0.0, ln, jnp.float32(-100.0))


def _sc_body(pred_hbm, truth_hbm, out_hbm, pv, tv, part, sem):
    cid = lax.axis_index("c")
    sid = lax.axis_index("s")
    wid = cid * _NS + sid
    row = wid // 2
    col = (wid % 2) * _CHUNK
    cp1 = pltpu.async_copy(pred_hbm.at[row, pl.ds(col, _CHUNK)], pv, sem)
    cp2 = pltpu.async_copy(truth_hbm.at[row, pl.ds(col, _CHUNK)], tv, sem)
    cp1.wait()
    cp2.wait()

    zeros = jnp.zeros((16,), jnp.float32)
    ones = jnp.ones((16,), jnp.float32)

    def body(i, carry):
        a_bce, a_tp, a_tn, a_pos = carry
        for u in range(2):
            p = pv[pl.ds(i * 32 + u * 16, 16)]
            t = tv[pl.ds(i * 32 + u * 16, 16)]
            lp = _ln_vec(p)
            l1p = _ln_vec(1.0 - p)
            a_bce = a_bce + (l1p + t * (lp - l1p))
            pb = p > 0.5
            tb = t > 0.0
            a_tp = a_tp + jnp.where(jnp.logical_and(pb, tb), ones, zeros)
            a_tn = a_tn + jnp.where(jnp.logical_or(pb, tb), zeros, ones)
            a_pos = a_pos + jnp.where(tb, ones, zeros)
        return a_bce, a_tp, a_tn, a_pos

    a_bce, a_tp, a_tn, a_pos = lax.fori_loop(
        0, _VPW // 2, body, (zeros, zeros, zeros, zeros))

    part[pl.ds(0, 16)] = a_bce
    part[pl.ds(16, 16)] = a_tp
    part[pl.ds(32, 16)] = a_tn
    part[pl.ds(48, 16)] = a_pos
    pltpu.sync_copy(part, out_hbm.at[wid])


_sc_partials = functools.partial(
    pl.kernel,
    mesh=plsc.VectorSubcoreMesh(core_axis_name="c", subcore_axis_name="s"),
    out_type=jax.ShapeDtypeStruct((_NW, 64), jnp.float32),
    scratch_types=[
        pltpu.VMEM((_CHUNK,), jnp.float32),
        pltpu.VMEM((_CHUNK,), jnp.float32),
        pltpu.VMEM((64,), jnp.float32),
        pltpu.SemaphoreType.DMA,
    ],
)(_sc_body)


def _combine_body(parts_ref, loss_ref, acc_ref):
    x = parts_ref[...]
    bce = jnp.sum(x[:, 0:16])
    tp = jnp.sum(x[:, 16:32])
    tn = jnp.sum(x[:, 32:48])
    pos = jnp.sum(x[:, 48:64])
    gp = jnp.maximum(pos, 1.0)
    gn = jnp.maximum(jnp.float32(_N) - pos, 1.0)
    loss_ref[...] = -bce / jnp.float32(_N)
    acc_ref[...] = (tp / gp) * (tn / gn)


_combine = pl.pallas_call(
    _combine_body,
    out_specs=(pl.BlockSpec(memory_space=pltpu.SMEM),
               pl.BlockSpec(memory_space=pltpu.SMEM)),
    out_shape=(jax.ShapeDtypeStruct((), jnp.float32),
               jax.ShapeDtypeStruct((), jnp.float32)),
)


def kernel(pred, truth):
    parts = _sc_partials(pred, truth)
    return _combine(parts)

# --- scband reference (transcript-rebuilt; emitter-appended) ---
"""Pipeline reference for scband-jagged-loss-19963007992160 (READ-ONLY COPY).

The authoritative reference and input builder live on the scoring server;
editing this copy changes nothing except your own understanding.
"""

import jax, jax.numpy as jnp
import numpy as np


def setup_inputs(seed: int = 0) -> dict:
    key = jax.random.key(seed)
    k1, k2 = jax.random.split(key)
    pred = jax.random.uniform(k1, (16, 4096), dtype=jnp.float32)
    truth = jax.random.uniform(k2, (16, 4096), dtype=jnp.float32)
    return {"pred": pred, "truth": truth}


def reference(pred, truth):
    # Faithful translation of JaggedLoss.forward for equal-length rows.
    # Each row of pred/truth corresponds to one (pred_i, truth_i) pair;
    # truth_i[:len(pred_i)] is the full row since lengths match.
    B = pred.shape[0]
    decisive_confidence = 0.5
    p = jnp.where(jnp.isnan(pred), jnp.zeros_like(pred), pred)
    p = jnp.where(jnp.isinf(p), jnp.zeros_like(p), p)
    # torch binary_cross_entropy clamps log terms at -100
    log_p = jnp.clip(jnp.log(p), -100.0, None)
    log_1mp = jnp.clip(jnp.log(1.0 - p), -100.0, None)
    bce_per_row = -jnp.mean(truth * log_p + (1.0 - truth) * log_1mp, axis=1)
    loss = jnp.sum(bce_per_row) / B  # loss accumulated per row, then /= len(pred)
    pred_binary = p > decisive_confidence
    target_binary = truth > 0
    ground_positive = jnp.maximum(jnp.sum(target_binary), 1)
    ground_negative = jnp.maximum(jnp.sum(jnp.logical_not(target_binary)), 1)
    true_positive = jnp.sum(jnp.logical_and(pred_binary, target_binary))
    true_negative = jnp.sum(jnp.logical_and(jnp.logical_not(pred_binary), jnp.logical_not(target_binary)))
    accuracy = (true_positive / ground_positive) * (true_negative / ground_negative)
    return (loss, accuracy)

if __name__ == "__main__":
    import jax
    _d = setup_inputs()
    print(jax.jit(kernel)(*tuple(_d.values())))

</pallas_src>

<mosaic_0001>
#map = affine_map<(d0, d1) -> (0, 0)>
module attributes {stable_mosaic.version = 14 : i64} {
  func.func @_sc_body(%arg0: i32, %arg1: i32, %arg2: memref<16x4096xf32, #tpu.memory_space<hbm>>, %arg3: memref<16x4096xf32, #tpu.memory_space<hbm>>, %arg4: memref<32x64xf32, #tpu.memory_space<hbm>>, %arg5: memref<2048xf32, #tpu.memory_space<vmem>>, %arg6: memref<2048xf32, #tpu.memory_space<vmem>>, %arg7: memref<64xf32, #tpu.memory_space<vmem>>, %arg8: memref<!tpu.dma_semaphore, #tpu.memory_space<semaphore_mem>>) attributes {dimension_semantics = [#tpu.dimension_semantics<core_parallel>, #tpu.dimension_semantics<subcore_parallel>], iteration_bounds = array<i64: 2, 16>, scalar_prefetch = 0 : i64, scratch_operands = 4 : i64, tpu.core_type = #tpu.core_type<sc_vector_subcore>, window_params = [{transform_indices = #map}, {transform_indices = #map}, {transform_indices = #map}]} {
    %mul3A = arith.constant 16 : i32
    %mul3A_0 = arith.muli %arg0, %mul3A : i32
    %add3A = arith.addi %mul3A_0, %arg1 : i32
    %jit3A = arith.constant 2 : i32
    %div3A = arith.divsi %add3A, %jit3A : i32
    %sign3A = arith.constant 0 : i32
    %sign3A_1 = arith.cmpi sgt, %add3A, %sign3A : i32
    %sign3A_2 = arith.extui %sign3A_1 : i1 to i32
    %sign3A_3 = arith.constant 0 : i32
    %sign3A_4 = arith.cmpi slt, %add3A, %sign3A_3 : i32
    %sign3A_5 = arith.extui %sign3A_4 : i1 to i32
    %sign3A_6 = arith.subi %sign3A_2, %sign3A_5 : i32
    %sign3A_7 = arith.constant 0 : i32
    %sign3A_8 = arith.cmpi sgt, %jit3A, %sign3A_7 : i32
    %sign3A_9 = arith.extui %sign3A_8 : i1 to i32
    %sign3A_10 = arith.constant 0 : i32
    %sign3A_11 = arith.cmpi slt, %jit3A, %sign3A_10 : i32
    %sign3A_12 = arith.extui %sign3A_11 : i1 to i32
    %sign3A_13 = arith.subi %sign3A_9, %sign3A_12 : i32
    %ne3A = arith.cmpi ne, %sign3A_6, %sign3A_13 : i32
    %rem3A = arith.remsi %add3A, %jit3A : i32
    %ne3A_14 = arith.constant 0 : i32
    %ne3A_15 = arith.cmpi ne, %rem3A, %ne3A_14 : i32
    %and3A = arith.andi %ne3A, %ne3A_15 : i1
    %sub3A = arith.constant 1 : i32
    %sub3A_16 = arith.subi %div3A, %sub3A : i32
    %select_n3A = arith.select %and3A, %sub3A_16, %div3A : i32
    %jit3A_17 = arith.constant 2 : i32
    %eq3A = arith.constant 0 : i32
    %eq3A_18 = arith.cmpi eq, %jit3A_17, %eq3A : i32
    %jit3A_19 = arith.constant 1 : i32
    %select_n3A_20 = arith.select %eq3A_18, %jit3A_19, %jit3A_17 : i32
    %rem3A_21 = arith.remsi %add3A, %select_n3A_20 : i32
    %ne3A_22 = arith.constant 0 : i32
    %ne3A_23 = arith.cmpi ne, %rem3A_21, %ne3A_22 : i32
    %lt3A = arith.constant 0 : i32
    %lt3A_24 = arith.cmpi slt, %rem3A_21, %lt3A : i32
    %lt3A_25 = arith.constant 0 : i32
    %lt3A_26 = arith.cmpi slt, %select_n3A_20, %lt3A_25 : i32
    %ne3A_27 = arith.xori %lt3A_24, %lt3A_26 : i1
    %and3A_28 = arith.andi %ne3A_27, %ne3A_23 : i1
    %add3A_29 = arith.addi %rem3A_21, %select_n3A_20 : i32
    %select_n3A_30 = arith.select %and3A_28, %add3A_29, %rem3A_21 : i32
    %mul3A_31 = arith.constant 2048 : i32
    %mul3A_32 = arith.muli %select_n3A_30, %mul3A_31 : i32
    %dma_start3A = tpu.memref_slice %arg2[%select_n3A, %mul3A_32] : memref<16x4096xf32, #tpu.memory_space<hbm>> -> memref<1x2048xf32, #tpu.memory_space<hbm>>
    %dma_start3A_33 = tpu.memref_squeeze %dma_start3A : memref<1x2048xf32, #tpu.memory_space<hbm>> -> memref<2048xf32, #tpu.memory_space<hbm>>
    %dma_start3A_34 = tpu.memref_slice %arg2[%select_n3A, %mul3A_32] : memref<16x4096xf32, #tpu.memory_space<hbm>> -> memref<1x2048xf32, #tpu.memory_space<hbm>>
    %dma_start3A_35 = tpu.memref_squeeze %dma_start3A_34 : memref<1x2048xf32, #tpu.memory_space<hbm>> -> memref<2048xf32, #tpu.memory_space<hbm>>
    tpu.enqueue_dma source(%dma_start3A_35 : memref<2048xf32, #tpu.memory_space<hbm>>) target(%arg5 : memref<2048xf32, #tpu.memory_space<vmem>>) target_semaphore(%arg8 : memref<!tpu.dma_semaphore, #tpu.memory_space<semaphore_mem>>)
    %dma_start3A_36 = tpu.memref_slice %arg3[%select_n3A, %mul3A_32] : memref<16x4096xf32, #tpu.memory_space<hbm>> -> memref<1x2048xf32, #tpu.memory_space<hbm>>
    %dma_start3A_37 = tpu.memref_squeeze %dma_start3A_36 : memref<1x2048xf32, #tpu.memory_space<hbm>> -> memref<2048xf32, #tpu.memory_space<hbm>>
    %dma_start3A_38 = tpu.memref_slice %arg3[%select_n3A, %mul3A_32] : memref<16x4096xf32, #tpu.memory_space<hbm>> -> memref<1x2048xf32, #tpu.memory_space<hbm>>
    %dma_start3A_39 = tpu.memref_squeeze %dma_start3A_38 : memref<1x2048xf32, #tpu.memory_space<hbm>> -> memref<2048xf32, #tpu.memory_space<hbm>>
    tpu.enqueue_dma source(%dma_start3A_39 : memref<2048xf32, #tpu.memory_space<hbm>>) target(%arg6 : memref<2048xf32, #tpu.memory_space<vmem>>) target_semaphore(%arg8 : memref<!tpu.dma_semaphore, #tpu.memory_space<semaphore_mem>>)
    %dma_wait3A = tpu.memref_slice %arg2[%select_n3A, %mul3A_32] : memref<16x4096xf32, #tpu.memory_space<hbm>> -> memref<1x2048xf32, #tpu.memory_space<hbm>>
    %dma_wait3A_40 = tpu.memref_squeeze %dma_wait3A : memref<1x2048xf32, #tpu.memory_space<hbm>> -> memref<2048xf32, #tpu.memory_space<hbm>>
    %dma_wait3A_41 = tpu.memref_slice %arg2[%select_n3A, %mul3A_32] : memref<16x4096xf32, #tpu.memory_space<hbm>> -> memref<1x2048xf32, #tpu.memory_space<hbm>>
    %dma_wait3A_42 = tpu.memref_squeeze %dma_wait3A_41 : memref<1x2048xf32, #tpu.memory_space<hbm>> -> memref<2048xf32, #tpu.memory_space<hbm>>
    tpu.wait_dma2 semaphore(%arg8 : memref<!tpu.dma_semaphore, #tpu.memory_space<semaphore_mem>>) src(%dma_wait3A_42 : memref<2048xf32, #tpu.memory_space<hbm>>) dst(%arg5 : memref<2048xf32, #tpu.memory_space<vmem>>)
    %dma_wait3A_43 = tpu.memref_slice %arg3[%select_n3A, %mul3A_32] : memref<16x4096xf32, #tpu.memory_space<hbm>> -> memref<1x2048xf32, #tpu.memory_space<hbm>>
    %dma_wait3A_44 = tpu.memref_squeeze %dma_wait3A_43 : memref<1x2048xf32, #tpu.memory_space<hbm>> -> memref<2048xf32, #tpu.memory_space<hbm>>
    %dma_wait3A_45 = tpu.memref_slice %arg3[%select_n3A, %mul3A_32] : memref<16x4096xf32, #tpu.memory_space<hbm>> -> memref<1x2048xf32, #tpu.memory_space<hbm>>
    %dma_wait3A_46 = tpu.memref_squeeze %dma_wait3A_45 : memref<1x2048xf32, #tpu.memory_space<hbm>> -> memref<2048xf32, #tpu.memory_space<hbm>>
    tpu.wait_dma2 semaphore(%arg8 : memref<!tpu.dma_semaphore, #tpu.memory_space<semaphore_mem>>) src(%dma_wait3A_46 : memref<2048xf32, #tpu.memory_space<hbm>>) dst(%arg6 : memref<2048xf32, #tpu.memory_space<vmem>>)
    %broadcast_in_dim3A = arith.constant 0.000000e+00 : f32
    %broadcast_in_dim3A_47 = vector.broadcast %broadcast_in_dim3A : f32 to vector<16xf32>
    %broadcast_in_dim3A_48 = arith.constant 1.000000e+00 : f32
    %broadcast_in_dim3A_49 = vector.broadcast %broadcast_in_dim3A_48 : f32 to vector<16xf32>
    %scan3A = arith.constant 0 : i32
    %scan3A_50 = arith.constant 64 : i32
    %scan3A_51 = arith.addi %scan3A, %scan3A_50 : i32
    %scan3A_52 = arith.constant 1 : i32
    %scan3A_53:4 = scf.for %scan3A_70 = %scan3A to %scan3A_51 step %scan3A_52 iter_args(%scan3A_71 = %broadcast_in_dim3A_47, %scan3A_72 = %broadcast_in_dim3A_47, %scan3A_73 = %broadcast_in_dim3A_47, %scan3A_74 = %broadcast_in_dim3A_47) -> (vector<16xf32>, vector<16xf32>, vector<16xf32>, vector<16xf32>)  : i32 {
      %mul3A_75 = arith.constant 32 : i32
      %mul3A_76 = arith.muli %scan3A_70, %mul3A_75 : i32
      %add3A_77 = arith.constant 0 : i32
      %add3A_78 = arith.addi %mul3A_76, %add3A_77 : i32
      %get3A = arith.index_cast %add3A_78 : i32 to index
      %get3A_79 = tpu.vector_load %arg5[%get3A] {strides = array<i32>} : memref<2048xf32, #tpu.memory_space<vmem>>, vector<16xf32>,
      %get3A_80 = vector.shape_cast %get3A_79 : vector<16xf32> to vector<16xf32>
      %mul3A_81 = arith.constant 32 : i32
      %mul3A_82 = arith.muli %scan3A_70, %mul3A_81 : i32
      %add3A_83 = arith.constant 0 : i32
      %add3A_84 = arith.addi %mul3A_82, %add3A_83 : i32
      %get3A_85 = arith.index_cast %add3A_84 : i32 to index
      %get3A_86 = tpu.vector_load %arg6[%get3A_85] {strides = array<i32>} : memref<2048xf32, #tpu.memory_space<vmem>>, vector<16xf32>,
      %get3A_87 = vector.shape_cast %get3A_86 : vector<16xf32> to vector<16xf32>
      %bitcast_convert_type3A = tpu.bitcast %get3A_80 : vector<16xf32> -> vector<16xi32>
      %shift_right_arithmetic3A = arith.constant 23 : i32
      %shift_right_arithmetic3A_88 = vector.broadcast %shift_right_arithmetic3A : i32 to vector<16xi32>
      %shift_right_arithmetic3A_89 = arith.shrsi %bitcast_convert_type3A, %shift_right_arithmetic3A_88 : vector<16xi32>
      %sub3A_90 = arith.constant 127 : i32
      %sub3A_91 = vector.broadcast %sub3A_90 : i32 to vector<16xi32>
      %sub3A_92 = arith.subi %shift_right_arithmetic3A_89, %sub3A_91 : vector<16xi32>
      %convert_element_type3A = arith.sitofp %sub3A_92 : vector<16xi32> to vector<16xf32>
      %and3A_93 = arith.constant 8388607 : i32
      %and3A_94 = vector.broadcast %and3A_93 : i32 to vector<16xi32>
      %and3A_95 = arith.andi %bitcast_convert_type3A, %and3A_94 : vector<16xi32>
      %or3A = arith.constant 1065353216 : i32
      %or3A_96 = vector.broadcast %or3A : i32 to vector<16xi32>
      %or3A_97 = arith.ori %and3A_95, %or3A_96 : vector<16xi32>
      %bitcast_convert_type3A_98 = tpu.bitcast %or3A_97 : vector<16xi32> -> vector<16xf32>
      %sub3A_99 = arith.constant 1.000000e+00 : f32
      %sub3A_100 = vector.broadcast %sub3A_99 : f32 to vector<16xf32>
      %sub3A_101 = arith.subf %bitcast_convert_type3A_98, %sub3A_100 : vector<16xf32>
      %add3A_102 = arith.constant 1.000000e+00 : f32
      %add3A_103 = vector.broadcast %add3A_102 : f32 to vector<16xf32>
      %add3A_104 = arith.addf %bitcast_convert_type3A_98, %add3A_103 : vector<16xf32>
      %div3A_105 = arith.divf %sub3A_101, %add3A_104 : vector<16xf32>
      %mul3A_106 = arith.mulf %div3A_105, %div3A_105 : vector<16xf32>
      %mul3A_107 = arith.constant 0.285714298 : f32
      %mul3A_108 = vector.broadcast %mul3A_107 : f32 to vector<16xf32>
      %mul3A_109 = arith.mulf %mul3A_108, %mul3A_106 : vector<16xf32>
      %add3A_110 = arith.constant 4.000000e-01 : f32
      %add3A_111 = vector.broadcast %add3A_110 : f32 to vector<16xf32>
      %add3A_112 = arith.addf %mul3A_109, %add3A_111 : vector<16xf32>
      %mul3A_113 = arith.mulf %add3A_112, %mul3A_106 : vector<16xf32>
      %add3A_114 = arith.constant 0.666666686 : f32
      %add3A_115 = vector.broadcast %add3A_114 : f32 to vector<16xf32>
      %add3A_116 = arith.addf %mul3A_113, %add3A_115 : vector<16xf32>
      %mul3A_117 = arith.mulf %add3A_116, %mul3A_106 : vector<16xf32>
      %add3A_118 = arith.constant 2.000000e+00 : f32
      %add3A_119 = vector.broadcast %add3A_118 : f32 to vector<16xf32>
      %add3A_120 = arith.addf %mul3A_117, %add3A_119 : vector<16xf32>
      %mul3A_121 = arith.constant 0.693147182 : f32
      %mul3A_122 = vector.broadcast %mul3A_121 : f32 to vector<16xf32>
      %mul3A_123 = arith.mulf %convert_element_type3A, %mul3A_122 : vector<16xf32>
      %mul3A_124 = arith.mulf %add3A_120, %div3A_105 : vector<16xf32>
      %add3A_125 = arith.addf %mul3A_123, %mul3A_124 : vector<16xf32>
      %gt3A = arith.constant 0.000000e+00 : f32
      %gt3A_126 = vector.broadcast %gt3A : f32 to vector<16xf32>
      %gt3A_127 = arith.cmpf ogt, %get3A_80, %gt3A_126 : vector<16xf32>
      %jit3A_128 = arith.constant -1.000000e+02 : f32
      %broadcast_in_dim3A_129 = vector.broadcast %jit3A_128 : f32 to vector<16xf32>
      %select_n3A_130 = arith.select %gt3A_127, %add3A_125, %broadcast_in_dim3A_129 : vector<16xi1>, vector<16xf32>
      %sub3A_131 = arith.constant 1.000000e+00 : f32
      %sub3A_132 = vector.broadcast %sub3A_131 : f32 to vector<16xf32>
      %sub3A_133 = arith.subf %sub3A_132, %get3A_80 : vector<16xf32>
      %bitcast_convert_type3A_134 = tpu.bitcast %sub3A_133 : vector<16xf32> -> vector<16xi32>
      %shift_right_arithmetic3A_135 = arith.constant 23 : i32
      %shift_right_arithmetic3A_136 = vector.broadcast %shift_right_arithmetic3A_135 : i32 to vector<16xi32>
      %shift_right_arithmetic3A_137 = arith.shrsi %bitcast_convert_type3A_134, %shift_right_arithmetic3A_136 : vector<16xi32>
      %sub3A_138 = arith.constant 127 : i32
      %sub3A_139 = vector.broadcast %sub3A_138 : i32 to vector<16xi32>
      %sub3A_140 = arith.subi %shift_right_arithmetic3A_137, %sub3A_139 : vector<16xi32>
      %convert_element_type3A_141 = arith.sitofp %sub3A_140 : vector<16xi32> to vector<16xf32>
      %and3A_142 = arith.constant 8388607 : i32
      %and3A_143 = vector.broadcast %and3A_142 : i32 to vector<16xi32>
      %and3A_144 = arith.andi %bitcast_convert_type3A_134, %and3A_143 : vector<16xi32>
      %or3A_145 = arith.constant 1065353216 : i32
      %or3A_146 = vector.broadcast %or3A_145 : i32 to vector<16xi32>
      %or3A_147 = arith.ori %and3A_144, %or3A_146 : vector<16xi32>
      %bitcast_convert_type3A_148 = tpu.bitcast %or3A_147 : vector<16xi32> -> vector<16xf32>
      %sub3A_149 = arith.constant 1.000000e+00 : f32
      %sub3A_150 = vector.broadcast %sub3A_149 : f32 to vector<16xf32>
      %sub3A_151 = arith.subf %bitcast_convert_type3A_148, %sub3A_150 : vector<16xf32>
      %add3A_152 = arith.constant 1.000000e+00 : f32
      %add3A_153 = vector.broadcast %add3A_152 : f32 to vector<16xf32>
      %add3A_154 = arith.addf %bitcast_convert_type3A_148, %add3A_153 : vector<16xf32>
      %div3A_155 = arith.divf %sub3A_151, %add3A_154 : vector<16xf32>
      %mul3A_156 = arith.mulf %div3A_155, %div3A_155 : vector<16xf32>
      %mul3A_157 = arith.constant 0.285714298 : f32
      %mul3A_158 = vector.broadcast %mul3A_157 : f32 to vector<16xf32>
      %mul3A_159 = arith.mulf %mul3A_158, %mul3A_156 : vector<16xf32>
      %add3A_160 = arith.constant 4.000000e-01 : f32
      %add3A_161 = vector.broadcast %add3A_160 : f32 to vector<16xf32>
      %add3A_162 = arith.addf %mul3A_159, %add3A_161 : vector<16xf32>
      %mul3A_163 = arith.mulf %add3A_162, %mul3A_156 : vector<16xf32>
      %add3A_164 = arith.constant 0.666666686 : f32
      %add3A_165 = vector.broadcast %add3A_164 : f32 to vector<16xf32>
      %add3A_166 = arith.addf %mul3A_163, %add3A_165 : vector<16xf32>
      %mul3A_167 = arith.mulf %add3A_166, %mul3A_156 : vector<16xf32>
      %add3A_168 = arith.constant 2.000000e+00 : f32
      %add3A_169 = vector.broadcast %add3A_168 : f32 to vector<16xf32>
      %add3A_170 = arith.addf %mul3A_167, %add3A_169 : vector<16xf32>
      %mul3A_171 = arith.constant 0.693147182 : f32
      %mul3A_172 = vector.broadcast %mul3A_171 : f32 to vector<16xf32>
      %mul3A_173 = arith.mulf %convert_element_type3A_141, %mul3A_172 : vector<16xf32>
      %mul3A_174 = arith.mulf %add3A_170, %div3A_155 : vector<16xf32>
      %add3A_175 = arith.addf %mul3A_173, %mul3A_174 : vector<16xf32>
      %gt3A_176 = arith.constant 0.000000e+00 : f32
      %gt3A_177 = vector.broadcast %gt3A_176 : f32 to vector<16xf32>
      %gt3A_178 = arith.cmpf ogt, %sub3A_133, %gt3A_177 : vector<16xf32>
      %jit3A_179 = arith.constant -1.000000e+02 : f32
      %broadcast_in_dim3A_180 = vector.broadcast %jit3A_179 : f32 to vector<16xf32>
      %select_n3A_181 = arith.select %gt3A_178, %add3A_175, %broadcast_in_dim3A_180 : vector<16xi1>, vector<16xf32>
      %sub3A_182 = arith.subf %select_n3A_130, %select_n3A_181 : vector<16xf32>
      %mul3A_183 = arith.mulf %get3A_87, %sub3A_182 : vector<16xf32>
      %add3A_184 = arith.addf %select_n3A_181, %mul3A_183 : vector<16xf32>
      %add3A_185 = arith.addf %scan3A_71, %add3A_184 : vector<16xf32>
      %gt3A_186 = arith.constant 5.000000e-01 : f32
      %gt3A_187 = vector.broadcast %gt3A_186 : f32 to vector<16xf32>
      %gt3A_188 = arith.cmpf ogt, %get3A_80, %gt3A_187 : vector<16xf32>
      %gt3A_189 = arith.constant 0.000000e+00 : f32
      %gt3A_190 = vector.broadcast %gt3A_189 : f32 to vector<16xf32>
      %gt3A_191 = arith.cmpf ogt, %get3A_87, %gt3A_190 : vector<16xf32>
      %and3A_192 = arith.andi %gt3A_188, %gt3A_191 : vector<16xi1>
      %select_n3A_193 = arith.select %and3A_192, %broadcast_in_dim3A_49, %broadcast_in_dim3A_47 : vector<16xi1>, vector<16xf32>
      %add3A_194 = arith.addf %scan3A_72, %select_n3A_193 : vector<16xf32>
      %or3A_195 = arith.ori %gt3A_188, %gt3A_191 : vector<16xi1>
      %select_n3A_196 = arith.select %or3A_195, %broadcast_in_dim3A_47, %broadcast_in_dim3A_49 : vector<16xi1>, vector<16xf32>
      %add3A_197 = arith.addf %scan3A_73, %select_n3A_196 : vector<16xf32>
      %select_n3A_198 = arith.select %gt3A_191, %broadcast_in_dim3A_49, %broadcast_in_dim3A_47 : vector<16xi1>, vector<16xf32>
      %add3A_199 = arith.addf %scan3A_74, %select_n3A_198 : vector<16xf32>
      %mul3A_200 = arith.constant 32 : i32
      %mul3A_201 = arith.muli %scan3A_70, %mul3A_200 : i32
      %add3A_202 = arith.constant 16 : i32
      %add3A_203 = arith.addi %mul3A_201, %add3A_202 : i32
      %get3A_204 = arith.index_cast %add3A_203 : i32 to index
      %get3A_205 = tpu.vector_load %arg5[%get3A_204] {strides = array<i32>} : memref<2048xf32, #tpu.memory_space<vmem>>, vector<16xf32>,
      %get3A_206 = vector.shape_cast %get3A_205 : vector<16xf32> to vector<16xf32>
      %mul3A_207 = arith.constant 32 : i32
      %mul3A_208 = arith.muli %scan3A_70, %mul3A_207 : i32
      %add3A_209 = arith.constant 16 : i32
      %add3A_210 = arith.addi %mul3A_208, %add3A_209 : i32
      %get3A_211 = arith.index_cast %add3A_210 : i32 to index
      %get3A_212 = tpu.vector_load %arg6[%get3A_211] {strides = array<i32>} : memref<2048xf32, #tpu.memory_space<vmem>>, vector<16xf32>,
      %get3A_213 = vector.shape_cast %get3A_212 : vector<16xf32> to vector<16xf32>
      %bitcast_convert_type3A_214 = tpu.bitcast %get3A_206 : vector<16xf32> -> vector<16xi32>
      %shift_right_arithmetic3A_215 = arith.constant 23 : i32
      %shift_right_arithmetic3A_216 = vector.broadcast %shift_right_arithmetic3A_215 : i32 to vector<16xi32>
      %shift_right_arithmetic3A_217 = arith.shrsi %bitcast_convert_type3A_214, %shift_right_arithmetic3A_216 : vector<16xi32>
      %sub3A_218 = arith.constant 127 : i32
      %sub3A_219 = vector.broadcast %sub3A_218 : i32 to vector<16xi32>
      %sub3A_220 = arith.subi %shift_right_arithmetic3A_217, %sub3A_219 : vector<16xi32>
      %convert_element_type3A_221 = arith.sitofp %sub3A_220 : vector<16xi32> to vector<16xf32>
      %and3A_222 = arith.constant 8388607 : i32
      %and3A_223 = vector.broadcast %and3A_222 : i32 to vector<16xi32>
      %and3A_224 = arith.andi %bitcast_convert_type3A_214, %and3A_223 : vector<16xi32>
      %or3A_225 = arith.constant 1065353216 : i32
      %or3A_226 = vector.broadcast %or3A_225 : i32 to vector<16xi32>
      %or3A_227 = arith.ori %and3A_224, %or3A_226 : vector<16xi32>
      %bitcast_convert_type3A_228 = tpu.bitcast %or3A_227 : vector<16xi32> -> vector<16xf32>
      %sub3A_229 = arith.constant 1.000000e+00 : f32
      %sub3A_230 = vector.broadcast %sub3A_229 : f32 to vector<16xf32>
      %sub3A_231 = arith.subf %bitcast_convert_type3A_228, %sub3A_230 : vector<16xf32>
      %add3A_232 = arith.constant 1.000000e+00 : f32
      %add3A_233 = vector.broadcast %add3A_232 : f32 to vector<16xf32>
      %add3A_234 = arith.addf %bitcast_convert_type3A_228, %add3A_233 : vector<16xf32>
      %div3A_235 = arith.divf %sub3A_231, %add3A_234 : vector<16xf32>
      %mul3A_236 = arith.mulf %div3A_235, %div3A_235 : vector<16xf32>
      %mul3A_237 = arith.constant 0.285714298 : f32
      %mul3A_238 = vector.broadcast %mul3A_237 : f32 to vector<16xf32>
      %mul3A_239 = arith.mulf %mul3A_238, %mul3A_236 : vector<16xf32>
      %add3A_240 = arith.constant 4.000000e-01 : f32
      %add3A_241 = vector.broadcast %add3A_240 : f32 to vector<16xf32>
      %add3A_242 = arith.addf %mul3A_239, %add3A_241 : vector<16xf32>
      %mul3A_243 = arith.mulf %add3A_242, %mul3A_236 : vector<16xf32>
      %add3A_244 = arith.constant 0.666666686 : f32
      %add3A_245 = vector.broadcast %add3A_244 : f32 to vector<16xf32>
      %add3A_246 = arith.addf %mul3A_243, %add3A_245 : vector<16xf32>
      %mul3A_247 = arith.mulf %add3A_246, %mul3A_236 : vector<16xf32>
      %add3A_248 = arith.constant 2.000000e+00 : f32
      %add3A_249 = vector.broadcast %add3A_248 : f32 to vector<16xf32>
      %add3A_250 = arith.addf %mul3A_247, %add3A_249 : vector<16xf32>
      %mul3A_251 = arith.constant 0.693147182 : f32
      %mul3A_252 = vector.broadcast %mul3A_251 : f32 to vector<16xf32>
      %mul3A_253 = arith.mulf %convert_element_type3A_221, %mul3A_252 : vector<16xf32>
      %mul3A_254 = arith.mulf %add3A_250, %div3A_235 : vector<16xf32>
      %add3A_255 = arith.addf %mul3A_253, %mul3A_254 : vector<16xf32>
      %gt3A_256 = arith.constant 0.000000e+00 : f32
      %gt3A_257 = vector.broadcast %gt3A_256 : f32 to vector<16xf32>
      %gt3A_258 = arith.cmpf ogt, %get3A_206, %gt3A_257 : vector<16xf32>
      %jit3A_259 = arith.constant -1.000000e+02 : f32
      %broadcast_in_dim3A_260 = vector.broadcast %jit3A_259 : f32 to vector<16xf32>
      %select_n3A_261 = arith.select %gt3A_258, %add3A_255, %broadcast_in_dim3A_260 : vector<16xi1>, vector<16xf32>
      %sub3A_262 = arith.constant 1.000000e+00 : f32
      %sub3A_263 = vector.broadcast %sub3A_262 : f32 to vector<16xf32>
      %sub3A_264 = arith.subf %sub3A_263, %get3A_206 : vector<16xf32>
      %bitcast_convert_type3A_265 = tpu.bitcast %sub3A_264 : vector<16xf32> -> vector<16xi32>
      %shift_right_arithmetic3A_266 = arith.constant 23 : i32
      %shift_right_arithmetic3A_267 = vector.broadcast %shift_right_arithmetic3A_266 : i32 to vector<16xi32>
      %shift_right_arithmetic3A_268 = arith.shrsi %bitcast_convert_type3A_265, %shift_right_arithmetic3A_267 : vector<16xi32>
      %sub3A_269 = arith.constant 127 : i32
      %sub3A_270 = vector.broadcast %sub3A_269 : i32 to vector<16xi32>
      %sub3A_271 = arith.subi %shift_right_arithmetic3A_268, %sub3A_270 : vector<16xi32>
      %convert_element_type3A_272 = arith.sitofp %sub3A_271 : vector<16xi32> to vector<16xf32>
      %and3A_273 = arith.constant 8388607 : i32
      %and3A_274 = vector.broadcast %and3A_273 : i32 to vector<16xi32>
      %and3A_275 = arith.andi %bitcast_convert_type3A_265, %and3A_274 : vector<16xi32>
      %or3A_276 = arith.constant 1065353216 : i32
      %or3A_277 = vector.broadcast %or3A_276 : i32 to vector<16xi32>
      %or3A_278 = arith.ori %and3A_275, %or3A_277 : vector<16xi32>
      %bitcast_convert_type3A_279 = tpu.bitcast %or3A_278 : vector<16xi32> -> vector<16xf32>
      %sub3A_280 = arith.constant 1.000000e+00 : f32
      %sub3A_281 = vector.broadcast %sub3A_280 : f32 to vector<16xf32>
      %sub3A_282 = arith.subf %bitcast_convert_type3A_279, %sub3A_281 : vector<16xf32>
      %add3A_283 = arith.constant 1.000000e+00 : f32
      %add3A_284 = vector.broadcast %add3A_283 : f32 to vector<16xf32>
      %add3A_285 = arith.addf %bitcast_convert_type3A_279, %add3A_284 : vector<16xf32>
      %div3A_286 = arith.divf %sub3A_282, %add3A_285 : vector<16xf32>
      %mul3A_287 = arith.mulf %div3A_286, %div3A_286 : vector<16xf32>
      %mul3A_288 = arith.constant 0.285714298 : f32
      %mul3A_289 = vector.broadcast %mul3A_288 : f32 to vector<16xf32>
      %mul3A_290 = arith.mulf %mul3A_289, %mul3A_287 : vector<16xf32>
      %add3A_291 = arith.constant 4.000000e-01 : f32
      %add3A_292 = vector.broadcast %add3A_291 : f32 to vector<16xf32>
      %add3A_293 = arith.addf %mul3A_290, %add3A_292 : vector<16xf32>
      %mul3A_294 = arith.mulf %add3A_293, %mul3A_287 : vector<16xf32>
      %add3A_295 = arith.constant 0.666666686 : f32
      %add3A_296 = vector.broadcast %add3A_295 : f32 to vector<16xf32>
      %add3A_297 = arith.addf %mul3A_294, %add3A_296 : vector<16xf32>
      %mul3A_298 = arith.mulf %add3A_297, %mul3A_287 : vector<16xf32>
      %add3A_299 = arith.constant 2.000000e+00 : f32
      %add3A_300 = vector.broadcast %add3A_299 : f32 to vector<16xf32>
      %add3A_301 = arith.addf %mul3A_298, %add3A_300 : vector<16xf32>
      %mul3A_302 = arith.constant 0.693147182 : f32
      %mul3A_303 = vector.broadcast %mul3A_302 : f32 to vector<16xf32>
      %mul3A_304 = arith.mulf %convert_element_type3A_272, %mul3A_303 : vector<16xf32>
      %mul3A_305 = arith.mulf %add3A_301, %div3A_286 : vector<16xf32>
      %add3A_306 = arith.addf %mul3A_304, %mul3A_305 : vector<16xf32>
      %gt3A_307 = arith.constant 0.000000e+00 : f32
      %gt3A_308 = vector.broadcast %gt3A_307 : f32 to vector<16xf32>
      %gt3A_309 = arith.cmpf ogt, %sub3A_264, %gt3A_308 : vector<16xf32>
      %jit3A_310 = arith.constant -1.000000e+02 : f32
      %broadcast_in_dim3A_311 = vector.broadcast %jit3A_310 : f32 to vector<16xf32>
      %select_n3A_312 = arith.select %gt3A_309, %add3A_306, %broadcast_in_dim3A_311 : vector<16xi1>, vector<16xf32>
      %sub3A_313 = arith.subf %select_n3A_261, %select_n3A_312 : vector<16xf32>
      %mul3A_314 = arith.mulf %get3A_213, %sub3A_313 : vector<16xf32>
      %add3A_315 = arith.addf %select_n3A_312, %mul3A_314 : vector<16xf32>
      %add3A_316 = arith.addf %add3A_185, %add3A_315 : vector<16xf32>
      %gt3A_317 = arith.constant 5.000000e-01 : f32
      %gt3A_318 = vector.broadcast %gt3A_317 : f32 to vector<16xf32>
      %gt3A_319 = arith.cmpf ogt, %get3A_206, %gt3A_318 : vector<16xf32>
      %gt3A_320 = arith.constant 0.000000e+00 : f32
      %gt3A_321 = vector.broadcast %gt3A_320 : f32 to vector<16xf32>
      %gt3A_322 = arith.cmpf ogt, %get3A_213, %gt3A_321 : vector<16xf32>
      %and3A_323 = arith.andi %gt3A_319, %gt3A_322 : vector<16xi1>
      %select_n3A_324 = arith.select %and3A_323, %broadcast_in_dim3A_49, %broadcast_in_dim3A_47 : vector<16xi1>, vector<16xf32>
      %add3A_325 = arith.addf %add3A_194, %select_n3A_324 : vector<16xf32>
      %or3A_326 = arith.ori %gt3A_319, %gt3A_322 : vector<16xi1>
      %select_n3A_327 = arith.select %or3A_326, %broadcast_in_dim3A_47, %broadcast_in_dim3A_49 : vector<16xi1>, vector<16xf32>
      %add3A_328 = arith.addf %add3A_197, %select_n3A_327 : vector<16xf32>
      %select_n3A_329 = arith.select %gt3A_322, %broadcast_in_dim3A_49, %broadcast_in_dim3A_47 : vector<16xi1>, vector<16xf32>
      %add3A_330 = arith.addf %add3A_199, %select_n3A_329 : vector<16xf32>
      scf.yield %add3A_316, %add3A_325, %add3A_328, %add3A_330 : vector<16xf32>, vector<16xf32>, vector<16xf32>, vector<16xf32>
    }
    %scan3A_54 = arith.constant 64 : i32
    %swap3A = arith.constant 0 : index
    %swap3A_55 = tpu.vector_load %arg7[%swap3A] {strides = array<i32>} : memref<64xf32, #tpu.memory_space<vmem>>, vector<16xf32>,
    %swap3A_56 = vector.shape_cast %swap3A_55 : vector<16xf32> to vector<16xf32>
    %swap3A_57 = vector.shape_cast %scan3A_53#0 : vector<16xf32> to vector<16xf32>
    tpu.vector_store %arg7[%swap3A], %swap3A_57 {strides = array<i32>} : memref<64xf32, #tpu.memory_space<vmem>>, vector<16xf32>,
    %swap3A_58 = arith.constant 16 : index
    %swap3A_59 = tpu.vector_load %arg7[%swap3A_58] {strides = array<i32>} : memref<64xf32, #tpu.memory_space<vmem>>, vector<16xf32>,
    %swap3A_60 = vector.shape_cast %swap3A_59 : vector<16xf32> to vector<16xf32>
    %swap3A_61 = vector.shape_cast %scan3A_53#1 : vector<16xf32> to vector<16xf32>
    tpu.vector_store %arg7[%swap3A_58], %swap3A_61 {strides = array<i32>} : memref<64xf32, #tpu.memory_space<vmem>>, vector<16xf32>,
    %swap3A_62 = arith.constant 32 : index
    %swap3A_63 = tpu.vector_load %arg7[%swap3A_62] {strides = array<i32>} : memref<64xf32, #tpu.memory_space<vmem>>, vector<16xf32>,
    %swap3A_64 = vector.shape_cast %swap3A_63 : vector<16xf32> to vector<16xf32>
    %swap3A_65 = vector.shape_cast %scan3A_53#2 : vector<16xf32> to vector<16xf32>
    tpu.vector_store %arg7[%swap3A_62], %swap3A_65 {strides = array<i32>} : memref<64xf32, #tpu.memory_space<vmem>>, vector<16xf32>,
    %swap3A_66 = arith.constant 48 : index
    %swap3A_67 = tpu.vector_load %arg7[%swap3A_66] {strides = array<i32>} : memref<64xf32, #tpu.memory_space<vmem>>, vector<16xf32>,
    %swap3A_68 = vector.shape_cast %swap3A_67 : vector<16xf32> to vector<16xf32>
    %swap3A_69 = vector.shape_cast %scan3A_53#3 : vector<16xf32> to vector<16xf32>
    tpu.vector_store %arg7[%swap3A_66], %swap3A_69 {strides = array<i32>} : memref<64xf32, #tpu.memory_space<vmem>>, vector<16xf32>,
    "tpu.region"() ({
      %run_scoped3A = tpu.sem_alloc : memref<!tpu.dma_semaphore, #tpu.memory_space<semaphore_mem>>
      %dma_start3A_70 = arith.constant 0 : i32
      %dma_start3A_71 = tpu.memref_slice %arg4[%add3A, %dma_start3A_70] : memref<32x64xf32, #tpu.memory_space<hbm>> -> memref<1x64xf32, #tpu.memory_space<hbm>>
      %dma_start3A_72 = tpu.memref_squeeze %dma_start3A_71 : memref<1x64xf32, #tpu.memory_space<hbm>> -> memref<64xf32, #tpu.memory_space<hbm>>
      %dma_start3A_73 = arith.constant 0 : i32
      %dma_start3A_74 = tpu.memref_slice %arg4[%add3A, %dma_start3A_73] : memref<32x64xf32, #tpu.memory_space<hbm>> -> memref<1x64xf32, #tpu.memory_space<hbm>>
      %dma_start3A_75 = tpu.memref_squeeze %dma_start3A_74 : memref<1x64xf32, #tpu.memory_space<hbm>> -> memref<64xf32, #tpu.memory_space<hbm>>
      tpu.enqueue_dma source(%arg7 : memref<64xf32, #tpu.memory_space<vmem>>) target(%dma_start3A_75 : memref<64xf32, #tpu.memory_space<hbm>>) target_semaphore(%run_scoped3A : memref<!tpu.dma_semaphore, #tpu.memory_space<semaphore_mem>>)
      %dma_wait3A_76 = arith.constant 0 : i32
      %dma_wait3A_77 = tpu.memref_slice %arg4[%add3A, %dma_wait3A_76] : memref<32x64xf32, #tpu.memory_space<hbm>> -> memref<1x64xf32, #tpu.memory_space<hbm>>
      %dma_wait3A_78 = tpu.memref_squeeze %dma_wait3A_77 : memref<1x64xf32, #tpu.memory_space<hbm>> -> memref<64xf32, #tpu.memory_space<hbm>>
      %dma_wait3A_79 = arith.constant 0 : i32
      %dma_wait3A_80 = tpu.memref_slice %arg4[%add3A, %dma_wait3A_79] : memref<32x64xf32, #tpu.memory_space<hbm>> -> memref<1x64xf32, #tpu.memory_space<hbm>>
      %dma_wait3A_81 = tpu.memref_squeeze %dma_wait3A_80 : memref<1x64xf32, #tpu.memory_space<hbm>> -> memref<64xf32, #tpu.memory_space<hbm>>
      tpu.wait_dma2 semaphore(%run_scoped3A : memref<!tpu.dma_semaphore, #tpu.memory_space<semaphore_mem>>) src(%arg7 : memref<64xf32, #tpu.memory_space<vmem>>) dst(%dma_wait3A_81 : memref<64xf32, #tpu.memory_space<hbm>>)
      tpu.yield
    }) : () -> ()
    return
  }
}

module attributes {stable_mosaic.version = 14 : i64} {
  func.func @_combine_body(%arg0: memref<32x64xf32, #tpu.memory_space<vmem>>, %arg1: memref<f32, #tpu.memory_space<smem>>, %arg2: memref<f32, #tpu.memory_space<smem>>) attributes {dimension_semantics = [], scalar_prefetch = 0 : i64, scratch_operands = 0 : i64, tpu.core_type = #tpu.core_type<tc>} {
    %get3A = arith.constant 0 : index
    %get3A_0 = arith.constant 0 : index
    %get3A_1 = vector.load %arg0[%get3A, %get3A_0] : memref<32x64xf32, #tpu.memory_space<vmem>>, vector<32x64xf32>
    %slice3A = vector.extract_strided_slice %get3A_1 {offsets = [0, 0], sizes = [32, 16], strides = [1, 1]} : vector<32x64xf32> to vector<32x16xf32>
    %reduce_sum3A = vector.shape_cast %slice3A : vector<32x16xf32> to vector<1x32x16xf32>
    %reduce_sum3A_2 = arith.constant dense<0.000000e+00> : vector<1xf32>
    %reduce_sum3A_3 = vector.multi_reduction <add>, %reduce_sum3A, %reduce_sum3A_2 [1, 2] : vector<1x32x16xf32> to vector<1xf32>
    %reduce_sum3A_4 = vector.shape_cast %reduce_sum3A_3 : vector<1xf32> to vector<1x1x1xf32>
    %reduce_sum3A_5 = vector.extract %reduce_sum3A_4[0, 0, 0] : f32 from vector<1x1x1xf32>
    %slice3A_6 = vector.extract_strided_slice %get3A_1 {offsets = [0, 16], sizes = [32, 16], strides = [1, 1]} : vector<32x64xf32> to vector<32x16xf32>
    %reduce_sum3A_7 = vector.shape_cast %slice3A_6 : vector<32x16xf32> to vector<1x32x16xf32>
    %reduce_sum3A_8 = arith.constant dense<0.000000e+00> : vector<1xf32>
    %reduce_sum3A_9 = vector.multi_reduction <add>, %reduce_sum3A_7, %reduce_sum3A_8 [1, 2] : vector<1x32x16xf32> to vector<1xf32>
    %reduce_sum3A_10 = vector.shape_cast %reduce_sum3A_9 : vector<1xf32> to vector<1x1x1xf32>
    %reduce_sum3A_11 = vector.extract %reduce_sum3A_10[0, 0, 0] : f32 from vector<1x1x1xf32>
    %slice3A_12 = vector.extract_strided_slice %get3A_1 {offsets = [0, 32], sizes = [32, 16], strides = [1, 1]} : vector<32x64xf32> to vector<32x16xf32>
    %reduce_sum3A_13 = vector.shape_cast %slice3A_12 : vector<32x16xf32> to vector<1x32x16xf32>
    %reduce_sum3A_14 = arith.constant dense<0.000000e+00> : vector<1xf32>
    %reduce_sum3A_15 = vector.multi_reduction <add>, %reduce_sum3A_13, %reduce_sum3A_14 [1, 2] : vector<1x32x16xf32> to vector<1xf32>
    %reduce_sum3A_16 = vector.shape_cast %reduce_sum3A_15 : vector<1xf32> to vector<1x1x1xf32>
    %reduce_sum3A_17 = vector.extract %reduce_sum3A_16[0, 0, 0] : f32 from vector<1x1x1xf32>
    %slice3A_18 = vector.extract_strided_slice %get3A_1 {offsets = [0, 48], sizes = [32, 16], strides = [1, 1]} : vector<32x64xf32> to vector<32x16xf32>
    %reduce_sum3A_19 = vector.shape_cast %slice3A_18 : vector<32x16xf32> to vector<1x32x16xf32>
    %reduce_sum3A_20 = arith.constant dense<0.000000e+00> : vector<1xf32>
    %reduce_sum3A_21 = vector.multi_reduction <add>, %reduce_sum3A_19, %reduce_sum3A_20 [1, 2] : vector<1x32x16xf32> to vector<1xf32>
    %reduce_sum3A_22 = vector.shape_cast %reduce_sum3A_21 : vector<1xf32> to vector<1x1x1xf32>
    %reduce_sum3A_23 = vector.extract %reduce_sum3A_22[0, 0, 0] : f32 from vector<1x1x1xf32>
    %max3A = arith.constant 1.000000e+00 : f32
    %max3A_24 = arith.maximumf %reduce_sum3A_23, %max3A : f32
    %sub3A = arith.constant 6.553600e+04 : f32
    %sub3A_25 = arith.subf %sub3A, %reduce_sum3A_23 : f32
    %max3A_26 = arith.constant 1.000000e+00 : f32
    %max3A_27 = arith.maximumf %sub3A_25, %max3A_26 : f32
    %neg3A = arith.constant 0.000000e+00 : f32
    %neg3A_28 = arith.subf %neg3A, %reduce_sum3A_5 : f32
    %div3A = arith.constant 6.553600e+04 : f32
    %div3A_29 = arith.divf %neg3A_28, %div3A : f32
    %swap3A = memref.load %arg1[] : memref<f32, #tpu.memory_space<smem>>
    memref.store %div3A_29, %arg1[] : memref<f32, #tpu.memory_space<smem>>
    %div3A_30 = arith.divf %reduce_sum3A_11, %max3A_24 : f32
    %div3A_31 = arith.divf %reduce_sum3A_17, %max3A_27 : f32
    %mul3A = arith.mulf %div3A_30, %div3A_31 : f32
    %swap3A_32 = memref.load %arg2[] : memref<f32, #tpu.memory_space<smem>>
    memref.store %mul3A, %arg2[] : memref<f32, #tpu.memory_space<smem>>
    return
  }
}

</mosaic_0001>

<sc_bundles>
// kernel: kernel.4.cloned.1.call-start
scs
__scs_entry_jumppad:
0x0: {  	(pc) =	sbr.rel $0x88, $3  }
0x1: {  	(tag) =	ssettag $0x0;
	lr =	simm.s32 $0x1  }
0x2: {  	[smem:$0x3F9F] =	sst lr;
	_ =	strace $0xD0000000  }
0x3: {  	_ = 	snop  }
0x4: {  	_ = 	snop  }
0x5: {  	_ = 	snop  }
0x6: {  	_ = 	snop  }
0x7: {  	_ = 	snop  }
__scs_overlays_trampoline_lowered:
0x8: {  	[smem:$0x3FAE] =	sst s0  }
0x9: {  	[smem:$0x3FAF] =	sst s1  }
0xa: {  	[smem:$0x3FB0] =	sst s2  }
0xb: {  	[smem:$0x3FB1] =	sst s3  }
0xc: {  	[smem:$0x3FB2] =	sst s4  }
0xd: {  	[smem:$0x3FB3] =	sst s5  }
0xe: {  	[smem:$0x3FB4] =	sst s6  }
0xf: {  	[smem:$0x3FB5] =	sst s7  }
0x10: {  	[smem:$0x3FB6] =	sst s8  }
0x11: {  	[smem:$0x3FB7] =	sst s9;
	s0 =	simm.s32 @!p0 $0x0  }
0x12: {  	s1 =	sld [smem:$0x3F9D];
	s0 =	simm.s32 @p0 $0x1  }
0x13: {  	[smem:$0x3FB8] =	sst s0;
	s0 =	simm.s32 @!p1 $0x0  }
0x14: {  	s2 =	sld [smem:$0x3F9C];
	s0 =	simm.s32 @p1 $0x1  }
0x15: {  	[smem:$0x3FB9] =	sst s0;
	s0 =	simm.s32 @!p2 $0x0  }
0x16: {  	s3 =	sld [smem:$0x3FDB];
	s0 =	simm.s32 @p2 $0x1  }
0x17: {  	s4 =	simm.s32 $0x1BF5;
	[smem:$0x3FBB] =	sst s0  }
0x18: {  	s0 =	sld [smem:$0x3F9E];
	_ =	swait.ge [sflag:s4], $0x0  }
0x19: {  	s7 =	sld [smem:$0x3F9F]  }
0x1a: {  	s8 =	sadd.s32 $0xFFFFE003, lr  }
0x1b: {  	s9 =	sadd.s32 $0xFFFFFEF7, lr;
	s5 =	simm.s32 $0xFFFFFFFF;
	p2 =	slt.u32 s8, $0xFFFFF086  }
0x1c: {  	p1 =	slt.u32 s9, $0xF7A;
	s5 =	simm.s32 @!p2 $0x0  }
0x1d: {  	s5 =	simm.s32 @p1 $0x1;
	p0 =	seq.s32 s7, s2  }
0x1e: {  	s7 =	smul.u32 @!p0 $0xF7A, s2;
	p2 =	seq.s32 @!p0 s5, $0x0  }
0x1f: {  	s9 =	smul.u32 $0xF7A, s1;
	s8 =	simm.s32 @!p0 $0x1BF5;
	p2 =	por !p2, p0  }
0x20: {  	[sflag:s8] =	ssyncset.s32 @!p0 $0xFFFFF086;
	s6 =	sadd.s32 @!p0 s3, s7;
	s7 =	simm.s32 @!p0 $0x108  }
0x21: {  	s3 =	sadd.s32 s3, s9;
	s6 =	sadd.s32 @!p0 $0x88, s6;
	s7 =	simm.s32 @p2 $0x1082  }
0x22: {  	[simem:s7], [sflag:s8] =	dma.local @!p0 [hbm:s6], $0xF7A  }
0x23: {  	s9 =	sor.u32 $0xD0000000, s2;
	s6 =	simm.s32 $0x108;
	_ =	swait.ge @!p0 [sflag:s8], $0x0  }
0x24: {  	s3 =	sadd.s32 $0x88, s3;
	s6 =	simm.s32 @!p1 $0x1082;
	[sflag:s4] =	ssyncset.s32 $0xFFFFF086  }
0x25: {  	[simem:s6], [sflag:s4] =	dma.local [hbm:s3], $0xF7A  }
0x26: {  	[smem:$0x3F9F] =	sst s1;
	(tag) =	ssettag s2;
	_ =	strace s9  }
0x27: {  	s1 =	sld [smem:$0x3FAF]  }
0x28: {  	s2 =	sld [smem:$0x3FB0]  }
0x29: {  	s4 =	sld [smem:$0x3FB2]  }
0x2a: {  	p0 =	seq.s32 s5, $0x0;
	s5 =	sld [smem:$0x3FB3]  }
0x2b: {  	s6 =	sld [smem:$0x3FB4]  }
0x2c: {  	s7 =	sld [smem:$0x3FB5]  }
0x2d: {  	s3 =	simm.s32 $0x108;
	s8 =	sld [smem:$0x3FB6]  }
0x2e: {  	s3 =	simm.s32 @!p0 $0x1082;
	s9 =	sld [smem:$0x3FB7]  }
0x2f: {  	lr =	sadd.s32 s0, s3;
	s0 =	sld [smem:$0x3FAE]  }
0x30: {  	s3 =	sld [smem:$0x3FB1]  }
0x31: {  	[smem:$0x3FBA] =	sst s10  }
0x32: {  	s10 =	sld [smem:$0x3FB8];
	_ =	sdelay $0x3  }
0x33: {  	p0 =	seq.s32 s10, $0x1;
	s10 =	sld [smem:$0x3FBA];
	_ =	sdelay $0x3  }
0x34: {  	[smem:$0x3FBA] =	sst s10  }
0x35: {  	s10 =	sld [smem:$0x3FB9];
	_ =	sdelay $0x3  }
0x36: {  	p1 =	seq.s32 s10, $0x1;
	s10 =	sld [smem:$0x3FBA];
	_ =	sdelay $0x3  }
0x37: {  	[smem:$0x3FBA] =	sst s10  }
0x38: {  	s10 =	sld [smem:$0x3FBB]  }
0x39: {  	_ = 	snop;
	(pc) =	sbr.ind lr, $3  }
0x3a: {  	_ = 	snop  }
0x3b: {  	_ = 	snop  }
0x3c: {  	p2 =	seq.s32 s10, $0x1;
	s10 =	sld [smem:$0x3FBA]  }
0x3d: {  	_ =	shalt  }
0x3e: {  	_ =	shalt  }
0x3f: {  	_ =	shalt  }
0x40: {  	_ =	shalt  }
0x41: {  	_ =	shalt  }
0x42: {  	_ =	shalt  }
0x43: {  	_ =	shalt  }
0x44: {  	_ =	shalt  }
0x45: {  	_ =	shalt  }
0x46: {  	_ =	shalt  }
0x47: {  	_ =	shalt  }
0x48: {  	_ =	shalt  }
0x49: {  	_ =	shalt  }
0x4a: {  	_ =	shalt  }
0x4b: {  	_ =	shalt  }
0x4c: {  	_ =	shalt  }
0x4d: {  	_ =	shalt  }
0x4e: {  	_ =	shalt  }
0x4f: {  	_ =	shalt  }
0x50: {  	_ =	shalt  }
0x51: {  	_ =	shalt  }
0x52: {  	_ =	shalt  }
0x53: {  	_ =	shalt  }
0x54: {  	_ =	shalt  }
0x55: {  	_ =	shalt  }
0x56: {  	_ =	shalt  }
0x57: {  	_ =	shalt  }
0x58: {  	_ =	shalt  }
0x59: {  	_ =	shalt  }
0x5a: {  	_ =	shalt  }
0x5b: {  	_ =	shalt  }
0x5c: {  	_ =	shalt  }
0x5d: {  	_ =	shalt  }
0x5e: {  	_ =	shalt  }
0x5f: {  	_ =	shalt  }
0x60: {  	_ =	shalt  }
0x61: {  	_ =	shalt  }
0x62: {  	_ =	shalt  }
0x63: {  	_ =	shalt  }
0x64: {  	_ =	shalt  }
0x65: {  	_ =	shalt  }
0x66: {  	_ =	shalt  }
0x67: {  	_ =	shalt  }
0x68: {  	_ =	shalt  }
0x69: {  	_ =	shalt  }
0x6a: {  	_ =	shalt  }
0x6b: {  	_ =	shalt  }
0x6c: {  	_ =	shalt  }
0x6d: {  	_ =	shalt  }
0x6e: {  	_ =	shalt  }
0x6f: {  	_ =	shalt  }
0x70: {  	_ =	shalt  }
0x71: {  	_ =	shalt  }
0x72: {  	_ =	shalt  }
0x73: {  	_ =	shalt  }
0x74: {  	_ =	shalt  }
0x75: {  	_ =	shalt  }
0x76: {  	_ =	shalt  }
0x77: {  	_ =	shalt  }
0x78: {  	_ =	shalt  }
0x79: {  	_ =	shalt  }
0x7a: {  	_ =	shalt  }
0x7b: {  	_ =	shalt  }
0x7c: {  	_ =	shalt  }
0x7d: {  	_ =	shalt  }
0x7e: {  	_ =	shalt  }
0x7f: {  	_ =	shalt  }
0x80: {  	_ =	shalt  }
0x81: {  	_ =	shalt  }
0x82: {  	_ =	shalt  }
0x83: {  	_ =	shalt  }
0x84: {  	_ =	shalt  }
0x85: {  	_ =	shalt  }
0x86: {  	_ =	shalt  }
0x87: {  	_ =	shalt  }
.Lfunc_end0:
.L_simem_size_0:
called_computation_lowered:
.L_overlay_start_0:
0x88: {  	s2 =	sld [smem:$0x3FD9]  }
0x89: {  	s3 =	sld [smem:$0x3FFE];
	_ =	sdelay $0x1  }
0x8a: {  	s1 =	srdreg.scid  }
0x8b: {  	s0 =	sand.u32 $0x1, s1  }
0x8c: {  	s17 =	sshll.u32 s0, $0xA;
	s2 =	sadd.s32 s3, s2  }
0x8d: {  	s2 =	sadd.s32 s2, s17  }
0x8e: {  	[smem:$0x3FC6] =	sst s2  }
0x8f: {  	_ = 	snop  }
0x90: {  	s2 =	sld [smem:$0x3FC9]  }
0x91: {  	s18 =	sld [smem:$0x3FC8];
	(tm) =	ssettm $0x1  }
0x92: {  	s4 =	sld [smem:$0x3FFB];
	_ =	sdelay $0x3  }
0x93: {  	_ =	strace s4  }
0x94: {  	s4 =	sld [smem:$0x3FFC];
	_ =	sdelay $0x3  }
0x95: {  	_ =	strace s4  }
0x96: {  	s4 =	sld [smem:$0x3FFD];
	_ =	sdelay $0x3  }
0x97: {  	_ =	strace s4  }
0x98: {  	_ =	strace $0x8FFFFFFF  }
0x99: {  	s19 =	sld [smem:$0x3FDB];
	_ =	sdelay $0x1  }
0x9a: {  	s5 =	simm.s32 $_scs_section_size  }
0x9b: {  	s6 =	simm.s32 $_size__tile_overlayer_lowered;
	s7 =	simm.s32 $_tile_overlayer_lowered  }
0x9c: {  	s22 =	simm.s32 $0x1BFF;
	s21 =	sshll.u32 s7, $0x1;
	s4 =	sadd.s32 s5, s19  }
0x9d: {  	s8 =	simm.s32 $0x0;
	s20 =	sshll.u32 s6, $0x1;
	s6 =	sadd.s32 s21, s4  }
0x9e: {  	[timem:s8], [sflag:s22] =	dma.local [hbm:s6], s20  }
0x9f: {  	_ =	swait.ge [sflag:s22], s20  }
0xa0: {  	s5 =	ssub.s32 $0x0, s20;
	[sflag:s22] =	ssyncset.done $0x0  }
0xa1: {  	[sflag:s22] =	ssyncadd.s32 s5;
	_ =	sdelay $0x1  }
0xa2: {  	s23 =	simm.s32 $0x1B8B  }
0xa3: {  	_ =	swait.ge [sflag:s23], $0x1  }
0xa4: {  	[sflag:s23] =	ssyncset.done $0x0  }
0xa5: {  	s25 =	simm.s32 $0x1B8E;
	s24 =	sld [smem:$0x3FFE];
	[sflag:s23] =	ssyncadd.s32 $0xFFFFFFFF  }
0xa6: {  	s26 =	simm.s32 $execute0_lowered;
	[smem:$0x3FD2] =	sst s25  }
0xa7: {  	s6 =	sshll.u32 s26, $0x1;
	_ =	strace $0x80000046;
	[dreg:$0x1] =	wrdreg $0xFFFFFFFF  }
0xa8: {  	s28 =	simm.s32 $_size_execute0_lowered;
	s4 =	sadd.s32 s4, s6;
	[dreg:$0x0] =	wrdreg $0x0  }
0xa9: {  	s6 =	sshll.u32 s28, $0x1;
	[dreg:$0x2] =	wrdreg s4  }
0xaa: {  	[dreg:$0x3] =	wrdreg s6  }
0xab: {  	[dreg:$0x4] =	wrdreg $0xC0  }
0xac: {  	_ =	task [dreg:s8], $0x5FFFF  }
0xad: {  	[dreg:$0x1] =	wrdreg $0xFFFFFFFF  }
0xae: {  	[dreg:$0x0] =	wrdreg $0x60  }
0xaf: {  	[dreg:$0x2] =	wrdreg s2  }
0xb0: {  	[dreg:$0x3] =	wrdreg s18  }
0xb1: {  	[dreg:$0x4] =	wrdreg s24  }
0xb2: {  	[dreg:$0x5] =	wrdreg $0x9  }
0xb3: {  	_ =	task.clear_ibuf [dreg:s8], $0x6FFFF;
	_ =	strace $0x90000046  }
0xb4: {  	s29 =	simm.s32 $0x9;
	_ =	strace $0x80000048  }
0xb5: {  	_ =	swait.ge [sflag:s29], $0x1  }
0xb6: {  	[sflag:s29] =	ssyncadd.s32 $0xFFFFFFFF  }
0xb7: {  	_ =	strace $0x90000048  }
0xb8: {  	_ =	sfence  }
0xb9: {  	s30 =	sld [smem:$0x0];
	_ =	sdelay $0x2  }
0xba: {  	s31 =	sshll.u32 s1, $0xD;
	s1 =	sshrl.u32 s1, $0x2  }
0xbb: {  	s3 =	sand.u32 $0x4000, s31;
	s1 =	sadd.s32 s1, s30  }
0xbc: {  	s0 =	sor.u32 s3, s0;
	s1 =	sshll.u32 s1, $0x11  }
0xbd: {  	s0 =	sor.u32 s1, s0  }
0xbe: {  	s0 =	sadd.s32 $0x8F2B, s0  }
0xbf: {  	[sflag:s0] =	ssyncadd.remote.s32 $0x1  }
0xc0: {  	_ =	sfence.sel $0xFFFF  }
0xc1: {  	[dreg:$0x0] =	wrdreg $0xFFFFFFFF;
	(pc) =	sbr.abs _section_cstart, $3  }
0xc2: {  	[dreg:$0x1] =	wrdreg $0xFFFFFFFF  }
0xc3: {  	_ =	task.clear_ibuf [dreg:s8], $0x2FFFF;
	_ =	strace $0x9FFFFFFF  }
0xc4: {  	(tm) =	ssettm $0x7FFFFFFF  }
0xc5: {  	_ =	shalt  }
tec
execute0_lowered:
.L_overlay_start_1:
0x0: {  	(tag) =	ssettag $0x1  }
0x1: {  	s4 =	rddreg [dreg:$0x0]  }
0x2: {  	s5 =	rddreg [dreg:$0x1]  }
0x3: {  	s0 =	srdreg.scid;
	s7 =	rddreg [dreg:$0x2];
	s2 =	simm.s32 $0x0  }
0x4: {  	s8 =	simm.s32 $0x1;
	s11 =	simm.s32 $0x1000;
	s12 =	simm.s32 $0x2  }
0x5: {  	s13 =	simm.s32 $0x0;
	s3 =	sand.u32 $0x1, s0;
	s0 =	stileid.u32  }
0x6: {  	[smem:$0x7FF] =	sst s2;
	s1 =	sshll.u32 s3, $0x4;
	s26 =	sand.u32 $0x1, s0  }
0x7: {  	s9 =	sshll.u32 s0, $0x4;
	s29 =	sshll.u32 s0, $0xE;
	s6 =	sor.u32 s0, s1  }
0x8: {  	s3 =	ssub.s32 $0x2, s3;
	p1 =	seq.s32 s26, $0x1;
	p0 =	seq.s32 s6, $0x0  }
0x9: {  	s1 =	rddreg [dreg:$0x3];
	_ =	strace $0x80000047;
	p0 =	por !p0, !p1  }
0xa: {  	s9 =	sand.u32 $0x70, s9;
	s30 =	sshrl.u32 s3, $0x1;
	p0 =	por !p0, !p0  }
0xb: {  	s10 =	sshrl.u32 s6, $0x1;
	s7 =	sadd.s32 s9, s7;
	s8 =	simm.s32 @!p0 $0x0  }
0xc: {  	s6 =	sshll.u32 s6, $0x4;
	s31 =	ssub.s32 s3, s30;
	s8 =	ssub.s32 s10, s8  }
0xd: {  	s3 =	simm.s32 $0x1;
	s6 =	sand.u32 $0x180, s6;
	s28 =	sshll.u32 s8, $0xC  }
0xe: {  	s10 =	sand.u32 $0x4000, s29;
	s8 =	sshll.u32 s8, $0x7;
	s9 =	sand.u32 $0xFFFF8000, s28  }
0xf: {  	s6 =	sadd.s32 s6, s7;
	s8 =	sand.u32 $0x380, s8;
	s9 =	sor.u32 s10, s9  }
0x10: {  	s7 =	smax.u32 s31, $0x1;
	s6 =	sadd.s32 $0x600, s6;
	s8 =	sor.u32 s8, s9  }
0x11: {  	s10 =	simm.s32 $0x800;
	s9 =	simm.s32 $0x400;
	s8 =	sshrl.u32 s8, $0x3  }
0x12: {  	v0 =	vimm.f32 $1.000000000e+00;
	v1 =	vimm.f32 $0.0e+00;
	s4 =	sadd.s32 s4, s8;
	s5 =	sadd.s32 s5, s8;
	s8 =	simm.s32 $0x80  }
.LBB2_1:
0x13: {  	[tilespmem:s2], [sflag:$0x1] =	stream.strided.gather [hbm4b:s4+s8], $0x800, s9, s8, $0x38;
	[tilespmem:$0x1080] =	vst v63  }
0x14: {  	_ = 	snop  }
0x15: {  	[tilespmem:s10], [sflag:$0x1] =	stream.strided.gather [hbm4b:s5+s8], $0x800, s9, s8, $0x38;
	[tilespmem:$0x1080] =	vst v63  }
0x16: {  	_ =	swait.ge [sflag:s3], $0x800  }
0x17: {  	[sflag:s3] =	ssyncset.done $0x0  }
0x18: {  	[sflag:s3] =	ssyncadd.s32 $0xFFFFF800  }
0x19: {  	_ =	swait.ge [sflag:s3], $0x800  }
0x1a: {  	[sflag:s3] =	ssyncset.done $0x0  }
0x1b: {  	s15 =	simm.s32 $0x0;
	[sflag:s3] =	ssyncadd.s32 $0xFFFFF800  }
0x1c: {  	v4 =	vld [tilespmem:s15+$0x10]  }
0x1d: {  	v5 =	vld [tilespmem:s15+$0x0];
	_ =	sdelay $0x4  }
0x1e: {  	v2 =	vand.u32 $0x7FFFFF, v4;
	v10 =	vsub.f32 $1.000000000e+00, v5  }
0x1f: {  	v3 =	vand.u32 $0x7FFFFF, v5;
	v7 =	vsub.f32 $1.000000000e+00, v4;
	v11 =	vor.u32 $0x3F800000, v2  }
0x20: {  	v12 =	vor.u32 $0x3F800000, v3;
	v2 =	vadd.f32 $1.000000000e+00, v11;
	v3 =	vand.u32 $0x7FFFFF, v10  }
0x21: {  	v8 =	vadd.f32 $1.000000000e+00, v12;
	v9 =	vand.u32 $0x7FFFFF, v7;
	v13 =	vor.u32 $0x3F800000, v3  }
0x22: {  	v6 =	vld [tilespmem:s15+$0x810];
	v14 =	vor.u32 $0x3F800000, v9;
	v15 =	vadd.f32 $1.000000000e+00, v13;
	(erf) = vrcp.f32 v2  }
0x23: {  	v16 =	vadd.f32 $1.000000000e+00, v14;
	(erf) = vrcp.f32 v8  }
0x24: {  	(erf) = vrcp.f32 v15  }
0x25: {  	(erf) = vrcp.f32 v16  }
0x26: {  	vm3 =	vgt.f32 v4, $5.000000000e-01;
	vm2 =	vgt.f32 v5, $5.000000000e-01  }
0x27: {  	vm5 =	vgt.f32 v6, $0.0e+00;
	vm1 =	vgt.f32 v5, $0.0e+00;
	v18 =	vshra.s32 v5, $0x17  }
0x28: {  	vm0 =	vgt.f32 v4, $0.0e+00;
	v18 =	vadd.s32 $0xFFFFFF81, v18;
	vm4 =	vmand vm3, vm5  }
0x29: {  	v12 =	vadd.f32 $-1.000000000e+00, v12;
	v11 =	vadd.f32 $-1.000000000e+00, v11;
	v25 =	vshra.s32 v7, $0x17  }
0x2a: {  	v18 =	vcvt.s32.f32 v18;
	v28 =	vshra.s32 v10, $0x17;
	v25 =	vadd.s32 $0xFFFFFF81, v25  }
0x2b: {  	s14 =	simm.s32 $0x20;
	v9 =	vld [tilespmem:s15+$0x800];
	v28 =	vadd.s32 $0xFFFFFF81, v28;
	v13 =	vadd.f32 $-1.000000000e+00, v13;
	v15 =	vshra.s32 v4, $0x17;
	v19 =	vpop (erf)  }
0x2c: {  	v3 =	vld [tilespmem:s14+$0x10];
	v25 =	vcvt.s32.f32 v25;
	v28 =	vcvt.s32.f32 v28;
	v15 =	vadd.s32 $0xFFFFFF81, v15;
	v20 =	vpop (erf)  }
0x2d: {  	v14 =	vadd.f32 $-1.000000000e+00, v14;
	v15 =	vcvt.s32.f32 v15;
	v21 =	vpop (erf);
	v12 =	vmul.f32 v20, v12  }
0x2e: {  	v2 =	vld [tilespmem:s14+$0x0];
	v4 =	vsel vm5, $0x3F800000, v1;
	v26 =	vmul.f32 v19, v11;
	v13 =	vmul.f32 v21, v13;
	v20 =	vpop (erf)  }
0x2f: {  	vm5 =	vmor vm3, vm5;
	v14 =	vmul.f32 v20, v14;
	v19 =	vmul.f32 v12, v12  }
0x30: {  	vm6 =	vgt.f32 v9, $0.0e+00;
	v23 =	vmul.f32 v26, v26;
	v22 =	vmul.f32 v13, v13  }
0x31: {  	v17 =	vand.u32 $0x7FFFFF, v3;
	v24 =	vmul.f32 v14, v14;
	v20 =	vmul.f32 $2.857142980e-01, v19  }
0x32: {  	v5 =	vsub.f32 $1.000000000e+00, v3;
	v27 =	vmul.f32 $2.857142980e-01, v23;
	v21 =	vmul.f32 $2.857142980e-01, v22  }
0x33: {  	v16 =	vand.u32 $0x7FFFFF, v2;
	v29 =	vmul.f32 $2.857142980e-01, v24;
	v30 =	vadd.f32 $4.000000060e-01, v20  }
0x34: {  	v20 =	vmul.f32 $6.931471820e-01, v15;
	v15 =	vadd.f32 $4.000000060e-01, v27;
	v31 =	vadd.f32 $4.000000060e-01, v21  }
0x35: {  	v21 =	vmul.f32 $6.931471820e-01, v18;
	v18 =	vadd.f32 $4.000000060e-01, v29;
	v27 =	vmul.f32 v30, v19  }
0x36: {  	v8 =	vsub.f32 $1.000000000e+00, v2;
	v15 =	vmul.f32 v15, v23;
	v29 =	vmul.f32 v31, v22  }
0x37: {  	vm3 =	vmand vm2, vm6;
	v18 =	vmul.f32 v18, v24;
	v27 =	vadd.f32 $6.666666860e-01, v27  }
0x38: {  	vm2 =	vmor vm2, vm6;
	v15 =	vadd.f32 $6.666666860e-01, v15;
	v29 =	vadd.f32 $6.666666860e-01, v29  }
0x39: {  	v17 =	vor.u32 $0x3F800000, v17;
	v63 =	vadd.f32 $6.666666860e-01, v18;
	v19 =	vmul.f32 v27, v19  }
0x3a: {  	v11 =	vsel vm6, $0x3F800000, v1;
	v15 =	vmul.f32 v15, v23;
	v22 =	vmul.f32 v29, v22  }
0x3b: {  	v18 =	vor.u32 $0x3F800000, v16;
	v16 =	vmul.f32 v63, v24;
	v19 =	vadd.f32 $2.000000000e+00, v19  }
0x3c: {  	v23 =	vmul.f32 $6.931471820e-01, v28;
	v15 =	vadd.f32 $2.000000000e+00, v15;
	v27 =	vadd.f32 $2.000000000e+00, v22  }
0x3d: {  	v22 =	vmul.f32 $6.931471820e-01, v25;
	v16 =	vadd.f32 $2.000000000e+00, v16;
	v24 =	vmul.f32 v19, v12  }
0x3e: {  	v19 =	vsel vm4, $0x3F800000, v1;
	v26 =	vmul.f32 v15, v26;
	v12 =	vimm.f32 $0.0e+00  }
0x3f: {  	v15 =	vimm.f32 $0.0e+00;
	v25 =	vmul.f32 v27, v13;
	v13 =	vimm.f32 $0.0e+00  }
0x40: {  	s15 =	simm.s32 $0x100;
	v27 =	vmul.f32 v16, v14;
	v16 =	vsel vm5, $0x0, v0;
	v14 =	vimm.f32 $0.0e+00  }
.LBB2_2:
0x41: {  	p0 =	sne.s32 s15, $0x1F80;
	v21 =	vadd.f32 v24, v21;
	v23 =	vadd.f32 v25, v23;
	v24 =	vsel vm3, $0x3F800000, v1  }
0x42: {  	vm3 =	vgt.f32 v10, $0.0e+00;
	v10 =	vmovc v8;
	v20 =	vadd.f32 v26, v20;
	v22 =	vadd.f32 v27, v22  }
0x43: {  	v8 =	vnsel vm1, $0xC2C80000, v21;
	v21 =	vnsel vm3, $0xC2C80000, v23;
	vm1 =	vgt.f32 v7, $0.0e+00;
	v7 =	vmovc v5  }
0x44: {  	v5 =	vsub.f32 v8, v21;
	v8 =	vnsel vm0, $0xC2C80000, v20;
	v20 =	vnsel vm1, $0xC2C80000, v22  }
0x45: {  	v23 =	vsel vm2, $0x0, v0;
	v22 =	vadd.f32 $1.000000000e+00, v17;
	v8 =	vsub.f32 v8, v20  }
0x46: {  	v25 =	vadd.f32 $1.000000000e+00, v18;
	v26 =	vand.u32 $0x7FFFFF, v7;
	v5 =	vmul.f32 v5, v9  }
0x47: {  	v26 =	vor.u32 $0x3F800000, v26;
	v9 =	vand.u32 $0x7FFFFF, v10;
	v8 =	vmul.f32 v8, v6  }
0x48: {  	v28 =	vadd.f32 $1.000000000e+00, v26;
	v27 =	vor.u32 $0x3F800000, v9;
	v6 =	vld [tilespmem:s14+$0x810];
	v5 =	vadd.f32 v5, v21  }
0x49: {  	v21 =	vadd.f32 $1.000000000e+00, v27;
	v9 =	vld [tilespmem:s14+$0x800];
	s14 =	sshra.s32 s15, $0x2;
	(erf) = vrcp.f32 v22;
	v8 =	vadd.f32 v8, v20  }
0x4a: {  	v15 =	vadd.f32 v24, v15;
	v20 =	vld [tilespmem:s14+$0x10];
	(erf) = vrcp.f32 v25;
	v5 =	vadd.f32 v5, v12  }
0x4b: {  	v11 =	vadd.f32 v11, v14;
	v13 =	vadd.f32 v23, v13;
	v22 =	vld [tilespmem:s14+$0x0];
	(erf) = vrcp.f32 v21  }
0x4c: {  	v15 =	vadd.f32 v19, v15;
	(erf) = vrcp.f32 v28;
	v12 =	vadd.f32 v8, v5  }
0x4d: {  	vm3 =	vgt.f32 v3, $5.000000000e-01;
	v14 =	vadd.f32 v4, v11;
	v13 =	vadd.f32 v16, v13  }
0x4e: {  	vm2 =	vgt.f32 v2, $5.000000000e-01;
	vm5 =	vgt.f32 v6, $0.0e+00;
	vm6 =	vgt.f32 v9, $0.0e+00  }
0x4f: {  	v11 =	vshra.s32 v3, $0x17;
	vm1 =	vgt.f32 v2, $0.0e+00;
	vm0 =	vgt.f32 v3, $0.0e+00;
	v3 =	vmovc v20  }
0x50: {  	v20 =	vshra.s32 v2, $0x17;
	v16 =	vand.u32 $0x7FFFFF, v22;
	v19 =	vand.u32 $0x7FFFFF, v3;
	v2 =	vmovc v22  }
0x51: {  	v4 =	vsel vm5, $0x3F800000, v1;
	v5 =	vsub.f32 $1.000000000e+00, v3;
	v8 =	vsub.f32 $1.000000000e+00, v2  }
0x52: {  	v24 =	vadd.s32 $0xFFFFFF81, v11;
	vm4 =	vmand vm3, vm5;
	v20 =	vadd.s32 $0xFFFFFF81, v20;
	v21 =	vpop (erf)  }
0x53: {  	v23 =	vcvt.s32.f32 v24;
	v28 =	vadd.f32 $-1.000000000e+00, v18;
	v22 =	vadd.f32 $-1.000000000e+00, v27;
	v11 =	vpop (erf)  }
0x54: {  	v17 =	vadd.f32 $-1.000000000e+00, v17;
	v24 =	vcvt.s32.f32 v20;
	v20 =	vadd.f32 $-1.000000000e+00, v26;
	v25 =	vpop (erf)  }
0x55: {  	vm5 =	vmor vm3, vm5;
	v26 =	vmul.f32 v11, v28;
	v25 =	vmul.f32 v25, v22;
	v18 =	vpop (erf)  }
0x56: {  	v27 =	vmul.f32 v21, v17;
	v11 =	vsel vm6, $0x3F800000, v1;
	v28 =	vmul.f32 v18, v20  }
0x57: {  	vm3 =	vmand vm2, vm6;
	v18 =	vmul.f32 v26, v26;
	v22 =	vmul.f32 v25, v25  }
0x58: {  	vm2 =	vmor vm2, vm6;
	v29 =	vmul.f32 v27, v27;
	v30 =	vmul.f32 v28, v28  }
0x59: {  	v31 =	vshra.s32 v7, $0x17;
	v17 =	vmul.f32 $2.857142980e-01, v18;
	v20 =	vmul.f32 $2.857142980e-01, v22  }
0x5a: {  	v32 =	vshra.s32 v10, $0x17;
	v33 =	vmul.f32 $2.857142980e-01, v29;
	v34 =	vmul.f32 $2.857142980e-01, v30  }
0x5b: {  	v17 =	vadd.f32 $4.000000060e-01, v17;
	v35 =	vadd.f32 $4.000000060e-01, v20;
	v20 =	vmul.f32 $6.931471820e-01, v23  }
0x5c: {  	v21 =	vmul.f32 $6.931471820e-01, v24;
	v23 =	vadd.f32 $4.000000060e-01, v33;
	v24 =	vadd.f32 $4.000000060e-01, v34  }
0x5d: {  	v31 =	vadd.s32 $0xFFFFFF81, v31;
	v17 =	vmul.f32 v17, v18;
	v33 =	vmul.f32 v35, v22  }
0x5e: {  	v32 =	vadd.s32 $0xFFFFFF81, v32;
	v23 =	vmul.f32 v23, v29;
	v24 =	vmul.f32 v24, v30  }
0x5f: {  	v31 =	vcvt.s32.f32 v31;
	v34 =	vadd.f32 $6.666666860e-01, v17;
	v33 =	vadd.f32 $6.666666860e-01, v33  }
0x60: {  	v32 =	vcvt.s32.f32 v32;
	v23 =	vadd.f32 $6.666666860e-01, v23;
	v24 =	vadd.f32 $6.666666860e-01, v24  }
0x61: {  	v17 =	vor.u32 $0x3F800000, v19;
	v19 =	vmul.f32 v34, v18;
	v22 =	vmul.f32 v33, v22  }
.Ltmp0:
0x62: {  	v18 =	vor.u32 $0x3F800000, v16;
	v16 =	vmul.f32 v23, v29;
	v24 =	vmul.f32 v24, v30;
	(pc) =	sbr.rel @p0 .LBB2_2-.Ltmp0, $4  }
0x63: {  	v19 =	vadd.f32 $2.000000000e+00, v19;
	v29 =	vadd.f32 $2.000000000e+00, v22;
	v22 =	vmul.f32 $6.931471820e-01, v31  }
0x64: {  	v23 =	vmul.f32 $6.931471820e-01, v32;
	v16 =	vadd.f32 $2.000000000e+00, v16;
	v30 =	vadd.f32 $2.000000000e+00, v24  }
0x65: {  	v24 =	vmul.f32 v19, v26;
	v19 =	vsel vm4, $0x3F800000, v1;
	v25 =	vmul.f32 v29, v25  }
0x66: {  	s15 =	sadd.s32 $0x80, s15;
	v26 =	vmul.f32 v16, v27;
	v16 =	vsel vm5, $0x0, v0;
	v27 =	vmul.f32 v30, v28  }
0x67: {  	v23 =	vadd.f32 v25, v23  }
0x68: {  	vm4 =	vgt.f32 v10, $0.0e+00;
	v57 =	vadd.f32 $1.000000000e+00, v17;
	v58 =	vand.u32 $0x7FFFFF, v8  }
0x69: {  	v59 =	vadd.f32 $1.000000000e+00, v18;
	v56 =	vnsel vm4, $0xC2C80000, v23;
	v23 =	vor.u32 $0x3F800000, v58  }
0x6a: {  	v60 =	vand.u32 $0x7FFFFF, v5;
	(erf) = vrcp.f32 v57;
	v61 =	vadd.f32 $1.000000000e+00, v23  }
0x6b: {  	v25 =	vor.u32 $0x3F800000, v60;
	(erf) = vrcp.f32 v59  }
0x6c: {  	v63 =	vadd.f32 $1.000000000e+00, v25;
	(erf) = vrcp.f32 v61  }
0x6d: {  	v21 =	vadd.f32 v24, v21;
	vm7 =	vgt.f32 v7, $0.0e+00;
	v24 =	vsel vm2, $0x0, v0  }
0x6e: {  	v11 =	vadd.f32 v11, v14;
	v30 =	vadd.f32 $-1.000000000e+00, v17;
	(erf) = vrcp.f32 v63  }
0x6f: {  	v36 =	vshra.s32 v3, $0x17;
	v39 =	vshra.s32 v2, $0x17;
	v46 =	vshra.s32 v5, $0x17  }
0x70: {  	v47 =	vshra.s32 v8, $0x17;
	v54 =	vadd.f32 v26, v20;
	v21 =	vnsel vm1, $0xC2C80000, v21  }
0x71: {  	vm8 =	vgt.f32 v2, $0.0e+00;
	v55 =	vadd.f32 v27, v22;
	v62 =	vsub.f32 v21, v56  }
0x72: {  	vm9 =	vgt.f32 v8, $0.0e+00;
	vm10 =	vgt.f32 v3, $0.0e+00;
	v27 =	vadd.f32 $-1.000000000e+00, v18  }
0x73: {  	v10 =	vnsel vm0, $0xC2C80000, v54;
	v20 =	vnsel vm7, $0xC2C80000, v55;
	v7 =	vmul.f32 v62, v9;
	v26 =	vpop (erf)  }
0x74: {  	v22 =	vsel vm3, $0x3F800000, v1;
	v28 =	vadd.f32 $-1.000000000e+00, v23;
	v10 =	vsub.f32 v10, v20;
	v29 =	vpop (erf)  }
0x75: {  	v48 =	vadd.s32 $0xFFFFFF81, v46;
	v7 =	vadd.f32 v7, v56;
	v33 =	vmul.f32 v29, v27;
	v32 =	vpop (erf)  }
0x76: {  	v31 =	vadd.f32 $-1.000000000e+00, v25;
	v6 =	vmul.f32 v10, v6;
	v34 =	vmul.f32 v32, v28  }
0x77: {  	v7 =	vadd.f32 v7, v12;
	v12 =	vmul.f32 v26, v30;
	v35 =	vpop (erf);
	v37 =	vmul.f32 v33, v33  }
0x78: {  	v9 =	vadd.f32 v22, v15;
	v14 =	vmul.f32 v35, v31;
	v38 =	vmul.f32 v34, v34  }
0x79: {  	v15 =	vadd.s32 $0xFFFFFF81, v36;
	v40 =	vmul.f32 v12, v12;
	v42 =	vmul.f32 $2.857142980e-01, v37  }
0x7a: {  	v10 =	vadd.f32 v24, v13;
	v41 =	vmul.f32 v14, v14;
	v43 =	vmul.f32 $2.857142980e-01, v38  }
0x7b: {  	v9 =	vadd.f32 v19, v9;
	v19 =	vadd.s32 $0xFFFFFF81, v39;
	v44 =	vmul.f32 $2.857142980e-01, v40  }
0x7c: {  	v22 =	vadd.f32 $4.000000060e-01, v42;
	v45 =	vmul.f32 $2.857142980e-01, v41;
	v23 =	vadd.f32 $4.000000060e-01, v43  }
0x7d: {  	v15 =	vcvt.s32.f32 v15;
	v19 =	vcvt.s32.f32 v19;
	v24 =	vadd.f32 $4.000000060e-01, v44  }
0x7e: {  	v22 =	vmul.f32 v22, v37;
	v25 =	vadd.f32 $4.000000060e-01, v45;
	v23 =	vmul.f32 v23, v38  }
0x7f: {  	v6 =	vadd.f32 v6, v20;
	v15 =	vmul.f32 $6.931471820e-01, v15;
	v24 =	vmul.f32 v24, v40  }
0x80: {  	v22 =	vadd.f32 $6.666666860e-01, v22;
	v25 =	vmul.f32 v25, v41;
	v23 =	vadd.f32 $6.666666860e-01, v23  }
0x81: {  	v19 =	vmul.f32 $6.931471820e-01, v19;
	v27 =	vadd.s32 $0xFFFFFF81, v47;
	v24 =	vadd.f32 $6.666666860e-01, v24  }
0x82: {  	v17 =	vmul.f32 v22, v37;
	v25 =	vadd.f32 $6.666666860e-01, v25;
	v18 =	vmul.f32 v23, v38  }
0x83: {  	v6 =	vadd.f32 v6, v7;
	v49 =	vcvt.s32.f32 v27;
	v20 =	vmul.f32 v24, v40  }
0x84: {  	v17 =	vadd.f32 $2.000000000e+00, v17;
	v21 =	vmul.f32 v25, v41;
	v18 =	vadd.f32 $2.000000000e+00, v18  }
0x85: {  	v22 =	vcvt.s32.f32 v48;
	v20 =	vadd.f32 $2.000000000e+00, v20;
	v23 =	vmul.f32 $6.931471820e-01, v49  }
0x86: {  	v51 =	vld [tilespmem:s14+$0x800];
	v7 =	vmul.f32 v17, v33;
	v21 =	vadd.f32 $2.000000000e+00, v21;
	v13 =	vmul.f32 v18, v34  }
0x87: {  	v52 =	vld [tilespmem:s14+$0x810];
	vm11 =	vgt.f32 v5, $0.0e+00;
	v50 =	vmul.f32 $6.931471820e-01, v22;
	v12 =	vmul.f32 v20, v12  }
0x88: {  	v7 =	vadd.f32 v7, v19;
	v14 =	vmul.f32 v21, v14;
	v13 =	vadd.f32 v13, v23  }
0x89: {  	vm12 =	vgt.f32 v2, $5.000000000e-01;
	v4 =	vadd.f32 v4, v11;
	v53 =	vadd.f32 v12, v15  }
0x8a: {  	v7 =	vnsel vm8, $0xC2C80000, v7;
	v54 =	vadd.f32 v14, v50;
	v13 =	vnsel vm9, $0xC2C80000, v13  }
0x8b: {  	vm0 =	vgt.f32 v3, $5.000000000e-01;
	vm13 =	vgt.f32 v51, $0.0e+00;
	v3 =	vsub.f32 v7, v13  }
0x8c: {  	vm14 =	vgt.f32 v52, $0.0e+00;
	v56 =	vnsel vm10, $0xC2C80000, v53;
	v57 =	vnsel vm11, $0xC2C80000, v54  }
0x8d: {  	vm15 =	vmand vm0, vm14;
	v7 =	vsub.f32 v56, v57;
	v3 =	vmul.f32 v3, v51  }
0x8e: {  	vm0 =	vmor vm0, vm14;
	vm5 =	vmand vm12, vm13;
	vm1 =	vmor vm12, vm13  }
0x8f: {  	v58 =	vsel vm5, $0x3F800000, v1;
	v2 =	vmul.f32 v7, v52;
	v3 =	vadd.f32 v3, v13  }
0x90: {  	v60 =	vsel vm1, $0x0, v0;
	v55 =	vadd.f32 v16, v10;
	v7 =	vadd.f32 v58, v9  }
0x91: {  	v61 =	vsel vm15, $0x3F800000, v1;
	v2 =	vadd.f32 v2, v57;
	v3 =	vadd.f32 v3, v6  }
0x92: {  	v59 =	vsel vm13, $0x3F800000, v1;
	v5 =	vadd.f32 v60, v55;
	v62 =	vadd.f32 v61, v7  }
0x93: {  	v4 =	vadd.f32 v59, v4;
	v2 =	vadd.f32 v2, v3;
	v3 =	vsel vm0, $0x0, v0  }
0x94: {  	v63 =	vsel vm14, $0x3F800000, v1;
	[tilespmem:$0x1010] =	vst v62;
	v3 =	vadd.f32 v3, v5  }
0x95: {  	s13 =	sadd.s32 $0x1, s13;
	[tilespmem:$0x1000] =	vst v2;
	v2 =	vadd.f32 v63, v4  }
0x96: {  	p0 =	sne.s32 s13, s7;
	[tilespmem:$0x1020] =	vst v3  }
.Ltmp1:
0x97: {  	[tilespmem:$0x1030] =	vst v2;
	(pc) =	sbr.rel @p0 .LBB2_1-.Ltmp1, $4  }
0x98: {  	[hbm4b:s6+s2] =	stream.linear.scatter [tilespmem:s11], [sflag:$0x2], $0x80, $0x38;
	[tilespmem:$0x1080] =	vst v63  }
0x99: {  	_ =	swait.ge [sflag:s12], $0x80  }
0x9a: {  	[sflag:s12] =	ssyncset.done $0x0  }
0x9b: {  	[sflag:s12] =	ssyncadd.s32 $0xFFFFFF80  }
0x9c: {  	_ =	sfence.sel $0x180000  }
0x9d: {  	[bflag:$0x0] =	sbarrier.arrive $0xFFFF  }
0x9e: {  	p0 =	sne.s32 s0, $0x0;
	_ =	strace $0x90000047  }
0x9f: {  	s0 =	sadd.s32 @!p0 $0x100000, s1;
	[bflag:$0x2] =	sbarrier.arrive $0xFFFF  }
0xa0: {  	[sflag:s0] =	ssyncadd.tile.s32 @!p0 $0x1;
	_ =	shalt  }
.Lfunc_end2:
_tile_overlayer_lowered:
.L_overlay_start_2:
0xa1: {  	(tag) =	ssettag $0x2  }
0xa2: {  	s0 =	rddreg [dreg:$0x0];
	s2 =	stileid.u32  }
0xa3: {  	s1 =	rddreg [dreg:$0x1];
	p0 =	sne.s32 s2, $0x0  }
0xa4: {  	s3 =	rddreg [dreg:$0x2];
	[bflag:$0x3] =	sbarrier.arrive $0xFFFF;
	s2 =	simm.s32 @!p0 $0x1C02  }
0xa5: {  	[timem:s3], [sflag:s2] =	dma.local @!p0 [hbm:s0], s1  }
0xa6: {  	s0 =	simm.s32 @!p0 $0x2  }
0xa7: {  	_ =	swait.ge @!p0 [sflag:s0], s1  }
0xa8: {  	s1 =	ssub.s32 @!p0 $0x0, s1;
	[sflag:s0] =	ssyncset.done @!p0 $0x0  }
0xa9: {  	[sflag:s0] =	ssyncadd.s32 @!p0 s1  }
0xaa: {  	[bflag:$0x3] =	sbarrier.arrive $0xFFFF  }
0xab: {  	_ =	shalt  }

</sc_bundles>
